<compile_context>
chip_gen: v7x
topology: tpu7x:2x2x1
jax: 0.10.2.dev20260603
libtpu: 0.0.44.dev20260713+nightly
codegen_flags: <defaults>
</compile_context>

<pallas_src>
import jax
import jax.numpy as jnp
from jax.experimental import pallas as pl
from jax.experimental.pallas import tpu as pltpu

_BLOCK_ROWS = 8


def _copy_body(in_ref, out_ref):
    out_ref[...] = in_ref[...]


def kernel(samples, sample_rate):
    batch, ch, n = samples.shape
    flat = samples.reshape(batch * ch, n)
    grid = (flat.shape[0] // _BLOCK_ROWS,)
    out = pl.pallas_call(
        _copy_body,
        out_shape=jax.ShapeDtypeStruct(flat.shape, flat.dtype),
        grid=grid,
        in_specs=[pl.BlockSpec((_BLOCK_ROWS, n), lambda i: (i, 0))],
        out_specs=pl.BlockSpec((_BLOCK_ROWS, n), lambda i: (i, 0)),
    )(flat)
    return out.reshape(batch, ch, n)

# --- scband reference (transcript-rebuilt; emitter-appended) ---
"""Pipeline reference for scband-base-waveform-transform-326417514633 (READ-ONLY COPY).

The authoritative reference and input builder live on the scoring server;
editing this copy changes nothing except your own understanding.
"""

import jax, jax.numpy as jnp
import numpy as np


def setup_inputs(seed: int = 0) -> dict:
    key = jax.random.key(seed)
    samples = jax.random.normal(key, (64, 1, 160000), dtype=jnp.float32)
    return {"samples": samples, "sample_rate": 16000}


def reference(samples, sample_rate):
    # BaseWaveformTransform(mode='per_example', p=0.0) in training mode:
    # bernoulli(p=0.0).sample((batch,)) -> all zeros -> should_apply all False.
    # Since should_apply.any() is False, forward returns `samples` unchanged.
    # (apply_transform is abstract / NotImplementedError in the base class,
    # so the only executable configuration is the identity pass-through path.)
    batch = samples.shape[0]
    should_apply = jnp.zeros((batch,), dtype=bool)  # Bernoulli(0.0) samples
    any_apply = jnp.any(should_apply)
    # faithful branch structure: if any should_apply -> transform (never taken), else identity
    out = jnp.where(any_apply, samples, samples)
    return out

if __name__ == "__main__":
    import jax
    _d = setup_inputs()
    print(jax.jit(kernel)(*tuple(_d.values())))

</pallas_src>

<mosaic_0001>
module attributes {stable_mosaic.version = 14 : i64} {
  func.func @_copy_body(%arg0: i32, %arg1: memref<8x160000xf32, #tpu.memory_space<vmem>>, %arg2: memref<8x160000xf32, #tpu.memory_space<vmem>>) attributes {dimension_semantics = [#tpu.dimension_semantics<arbitrary>], iteration_bounds = array<i64: 8>, scalar_prefetch = 0 : i64, scratch_operands = 0 : i64, tpu.core_type = #tpu.core_type<tc>, window_params = [{transform_indices = @transform_0, window_bounds = array<i64: 8, 160000>}, {transform_indices = @transform_1, window_bounds = array<i64: 8, 160000>}]} {
    %get3A = arith.constant 0 : index
    %get3A_0 = arith.constant 0 : index
    %get3A_1 = vector.load %arg1[%get3A, %get3A_0] : memref<8x160000xf32, #tpu.memory_space<vmem>>, vector<8x160000xf32>
    %swap3A = arith.constant 0 : index
    %swap3A_2 = arith.constant 0 : index
    %swap3A_3 = vector.load %arg2[%swap3A, %swap3A_2] : memref<8x160000xf32, #tpu.memory_space<vmem>>, vector<8x160000xf32>
    tpu.vector_store %arg2[%swap3A, %swap3A_2], %get3A_1 {strides = array<i32>} : memref<8x160000xf32, #tpu.memory_space<vmem>>, vector<8x160000xf32>,
    return
  }
  func.func @transform_0(%arg0: i32) -> (i32, i32) {
    %c0_i32 = arith.constant 0 : i32
    %c0_i32_0 = arith.constant 0 : i32
    return %arg0, %c0_i32 : i32, i32
  }
  func.func @transform_1(%arg0: i32) -> (i32, i32) {
    %c0_i32 = arith.constant 0 : i32
    %c0_i32_0 = arith.constant 0 : i32
    return %arg0, %c0_i32 : i32, i32
  }
}

</mosaic_0001>

<sc_bundles>
// kernel: sparse-core-data-format-call.1.cloned.1.call-start
scs
called_computation.1_lowered:
.L_overlay_start_0:
0x0: {  	s2 =	sld [smem:$0x3FD9]  }
0x1: {  	s3 =	sld [smem:$0x3FFE];
	_ =	sdelay $0x1  }
0x2: {  	s1 =	srdreg.scid  }
0x3: {  	s0 =	sand.u32 $0x1, s1  }
0x4: {  	s19 =	sshll.u32 s0, $0xA;
	s2 =	sadd.s32 s3, s2  }
0x5: {  	s2 =	sadd.s32 s2, s19  }
0x6: {  	[smem:$0x3FC7] =	sst s2  }
0x7: {  	_ = 	snop  }
0x8: {  	s2 =	sld [smem:$0x3FC9]  }
0x9: {  	s20 =	sld [smem:$0x3FD0];
	(tm) =	ssettm $0x1  }
0xa: {  	s4 =	sld [smem:$0x3FFB];
	_ =	sdelay $0x3  }
0xb: {  	_ =	strace s4  }
0xc: {  	s4 =	sld [smem:$0x3FFC];
	_ =	sdelay $0x3  }
0xd: {  	_ =	strace s4  }
0xe: {  	s4 =	sld [smem:$0x3FFD];
	_ =	sdelay $0x3  }
0xf: {  	_ =	strace s4  }
0x10: {  	_ =	strace $0x8FFFFFFF  }
0x11: {  	s21 =	sld [smem:$0x3FDB];
	_ =	sdelay $0x1  }
0x12: {  	s5 =	simm.s32 $_scs_section_size  }
0x13: {  	s6 =	simm.s32 $_size__tile_overlayer_lowered;
	s7 =	simm.s32 $_tile_overlayer_lowered  }
0x14: {  	s24 =	simm.s32 $0x1BFF;
	s23 =	sshll.u32 s7, $0x1;
	s4 =	sadd.s32 s5, s21  }
0x15: {  	s8 =	simm.s32 $0x0;
	s22 =	sshll.u32 s6, $0x1;
	s6 =	sadd.s32 s23, s4  }
0x16: {  	[timem:s8], [sflag:s24] =	dma.local [hbm:s6], s22  }
0x17: {  	_ =	swait.ge [sflag:s24], s22  }
0x18: {  	s5 =	ssub.s32 $0x0, s22;
	[sflag:s24] =	ssyncset.done $0x0  }
0x19: {  	[sflag:s24] =	ssyncadd.s32 s5;
	_ =	sdelay $0x1  }
0x1a: {  	s25 =	simm.s32 $0x1B8B  }
0x1b: {  	_ =	swait.ge [sflag:s25], $0x1  }
0x1c: {  	[sflag:s25] =	ssyncset.done $0x0  }
0x1d: {  	s26 =	simm.s32 $0x1B8E;
	[sflag:s25] =	ssyncadd.s32 $0xFFFFFFFF  }
0x1e: {  	s27 =	simm.s32 $execute0_lowered;
	[smem:$0x3FD2] =	sst s26  }
0x1f: {  	s5 =	sshll.u32 s27, $0x1;
	_ =	strace $0x80000046;
	[dreg:$0x1] =	wrdreg $0xFFFFFFFF  }
0x20: {  	s28 =	simm.s32 $_size_execute0_lowered;
	s4 =	sadd.s32 s4, s5;
	[dreg:$0x0] =	wrdreg $0x0  }
0x21: {  	s5 =	sshll.u32 s28, $0x1;
	[dreg:$0x2] =	wrdreg s4  }
0x22: {  	[dreg:$0x3] =	wrdreg s5  }
0x23: {  	[dreg:$0x4] =	wrdreg $0xC0  }
0x24: {  	_ =	task [dreg:s8], $0x5FFFF  }
0x25: {  	[dreg:$0x1] =	wrdreg $0xFFFFFFFF  }
0x26: {  	[dreg:$0x0] =	wrdreg $0x60  }
0x27: {  	[dreg:$0x2] =	wrdreg s2  }
0x28: {  	[dreg:$0x3] =	wrdreg s20  }
0x29: {  	[dreg:$0x4] =	wrdreg $0x9  }
0x2a: {  	_ =	task.clear_ibuf [dreg:s8], $0x5FFFF;
	_ =	strace $0x90000046  }
0x2b: {  	s29 =	simm.s32 $0x9;
	_ =	strace $0x80000048  }
0x2c: {  	_ =	swait.ge [sflag:s29], $0x1  }
0x2d: {  	[sflag:s29] =	ssyncadd.s32 $0xFFFFFFFF  }
0x2e: {  	_ =	strace $0x90000048  }
0x2f: {  	_ =	sfence  }
0x30: {  	s30 =	sld [smem:$0x0];
	_ =	sdelay $0x2  }
0x31: {  	s31 =	sshll.u32 s1, $0xD;
	s1 =	sshrl.u32 s1, $0x2  }
0x32: {  	s3 =	sand.u32 $0x4000, s31;
	s1 =	sadd.s32 s1, s30  }
0x33: {  	s0 =	sor.u32 s3, s0;
	s1 =	sshll.u32 s1, $0x11  }
0x34: {  	s0 =	sor.u32 s1, s0  }
0x35: {  	s0 =	sadd.s32 $0x8F2B, s0  }
0x36: {  	[sflag:s0] =	ssyncadd.remote.s32 $0x1  }
0x37: {  	_ =	sfence.sel $0xFFFF  }
0x38: {  	[dreg:$0x0] =	wrdreg $0xFFFFFFFF;
	(pc) =	sbr.abs _section_cstart, $3  }
0x39: {  	[dreg:$0x1] =	wrdreg $0xFFFFFFFF  }
0x3a: {  	_ =	task.clear_ibuf [dreg:s8], $0x2FFFF;
	_ =	strace $0x9FFFFFFF  }
0x3b: {  	(tm) =	ssettm $0x7FFFFFFF  }
tec
execute0_lowered:
.L_overlay_start_1:
0x0: {  	(tag) =	ssettag $0x1  }
0x1: {  	s0 =	srdreg.scid  }
0x2: {  	s2 =	rddreg [dreg:$0x0];
	s1 =	sshll.u32 s0, $0x4  }
0x3: {  	s4 =	rddreg [dreg:$0x1];
	s0 =	stileid.u32;
	s1 =	sand.u32 $0x10, s1  }
0x4: {  	s7 =	simm.s32 $0x1;
	s8 =	simm.s32 $0x2;
	s1 =	sor.u32 s0, s1  }
0x5: {  	s13 =	simm.s32 $0x0;
	s9 =	simm.s32 $0x0;
	s3 =	sshll.u32 s1, $0x8  }
0x6: {  	s14 =	simm.s32 $0x0;
	s11 =	simm.s32 $0x0;
	s6 =	ssub.s32 $0x27100, s3  }
.Ltmp0:
0x7: {  	s12 =	simm.s32 $0x0;
	s5 =	sand.u32 $0x1F00, s6;
	(pc) =	sbr.rel .LBB1_1-.Ltmp0, $4  }
0x8: {  	s1 =	rddreg [dreg:$0x2];
	_ =	strace $0x80000047;
	p0 =	sne.s32 s5, $0x0  }
0x9: {  	s6 =	sshrl.u32 s6, $0xD;
	s5 =	simm.s32 $0x1;
	s7 =	simm.s32 @!p0 $0x0  }
0xa: {  	s10 =	smov.u32 s3;
	[sflag:s5] =	ssyncpa.u1 $0x0;
	s6 =	sadd.s32 s7, s6  }
0xb: {  	[sflag:s8] =	ssyncpa.u1 $0x0;
	s8 =	simm.s32 $0x138800;
	s7 =	sadd.s32 $0x1, s6  }
.LBB1_4:
0xc: {  	_ =	sdelay $0x3  }
0xd: {  	[tilespmem:v0+s17+$0x420 ss:$0x1] =	vst.idx.msk $0xffff, v4  }
0xe: {  	[tilespmem:v0+s17+$0x430 ss:$0x1] =	vst.idx.msk $0xffff, v7  }
0xf: {  	[tilespmem:v0+s17+$0x440 ss:$0x1] =	vst.idx.msk $0xffff, v3;
	v57 =	vld [tilespmem:s16+$0x10]  }
0x10: {  	s18 =	sadd.s32 $0x80, s18;
	[tilespmem:s19+$0x0] =	vst v5;
	v58 =	vld [tilespmem:s16+$0x20]  }
0x11: {  	s20 =	sand.u32 $0x3800, s21;
	[tilespmem:v0+s17+$0x450 ss:$0x1] =	vst.idx.msk $0xffff, v2;
	v59 =	vld [tilespmem:s16+$0x30];
	s24 =	sand.u32 $0x380, s18  }
0x12: {  	[tilespmem:v0+s17+$0x460 ss:$0x1] =	vst.idx.msk $0xffff, v1;
	v60 =	vld [tilespmem:s16+$0x40];
	s20 =	sor.u32 s24, s20  }
0x13: {  	v62 =	vld [tilespmem:s16+$0x50];
	[tilespmem:v0+s20+$0x470 ss:$0x1] =	vst.idx.msk $0xffff, v6  }
0x14: {  	s26 =	sshrl.u32 s14, $0x3;
	s27 =	sshll.u32 s13, $0x3;
	v63 =	vld [tilespmem:s16+$0x60];
	s25 =	sand.u32 $0x3B00, s20;
	[tilespmem:v0+s20+$0x410 ss:$0x1] =	vst.idx.msk $0xffff, v57  }
0x15: {  	v49 =	vld [tilespmem:s16+$0xFFFFFF90];
	s18 =	sand.u32 $0x80, s18;
	s17 =	smul.u32 $0x138800, s26;
	s19 =	sadd.s32 s25, s15;
	[tilespmem:v0+s20+$0x420 ss:$0x1] =	vst.idx.msk $0xffff, v58  }
0x16: {  	v50 =	vld [tilespmem:s16+$0xFFFFFFA0];
	s28 =	sshll.u32 s14, $0x7;
	s18 =	sadd.s32 s18, s19;
	s19 =	sand.u32 $0xFFFFFC00, s27;
	[tilespmem:v0+s20+$0x430 ss:$0x1] =	vst.idx.msk $0xffff, v59  }
0x17: {  	v51 =	vld [tilespmem:s16+$0xFFFFFFB0];
	s14 =	sand.u32 $0x380, s28;
	[tilespmem:v0+s20+$0x440 ss:$0x1] =	vst.idx.msk $0xffff, v60;
	s17 =	sadd.s32 s17, s19  }
0x18: {  	v52 =	vld [tilespmem:s16+$0xFFFFFFC0];
	s29 =	sand.u32 $0x7F, s13;
	[tilespmem:v0+s20+$0x450 ss:$0x1] =	vst.idx.msk $0xffff, v62;
	s14 =	sor.u32 s14, s17  }
0x19: {  	v53 =	vld [tilespmem:s16+$0xFFFFFFD0];
	[tilespmem:v0+s20+$0x460 ss:$0x1] =	vst.idx.msk $0xffff, v63;
	s13 =	sor.u32 s29, s14  }
0x1a: {  	v54 =	vld [tilespmem:s16+$0xFFFFFFE0];
	[tilespmem:s18+$0x10] =	vst v49;
	s30 =	smulhi.u32 $0xD1B71759, s13  }
0x1b: {  	v55 =	vld [tilespmem:s16+$0xFFFFFFF0];
	[tilespmem:s18+$0x20] =	vst v50  }
0x1c: {  	v56 =	vld [tilespmem:s16+$0x0];
	[tilespmem:s18+$0x30] =	vst v51;
	s14 =	smulhi.u32 $0xD1B71759, s14;
	s17 =	sshrl.u32 s30, $0x11  }
0x1d: {  	v61 =	vld [tilespmem:s16+$0xFFFFFF80];
	[tilespmem:s18+$0x40] =	vst v52;
	s31 =	smul.u32 $0x27100, s17  }
0x1e: {  	[tilespmem:s18+$0x50] =	vst v53;
	s14 =	sshrl.u32 s14, $0x11  }
0x1f: {  	[tilespmem:s18+$0x60] =	vst v54;
	s14 =	sand.u32 $0x3F, s14;
	s13 =	ssub.s32 s13, s31  }
0x20: {  	[tilespmem:s18+$0x70] =	vst v55;
	s14 =	smul.u32 $0x4E20, s14;
	s16 =	sshrl.u32 s13, $0x3;
	s13 =	sand.u32 $0x7, s13  }
0x21: {  	[tilespmem:s18+$0x400] =	vst v56;
	s16 =	sadd.s32 s4, s16;
	s13 =	sshll.u32 s13, $0x12  }
0x22: {  	[tilespmem:s18+$0x0] =	vst v61;
	s14 =	sadd.s32 s14, s16;
	s13 =	sor.u32 $0x800, s13  }
0x23: {  	[hbm4b:s14+s13] =	stream.strided.scatter [tilespmem:s15], [sflag:$0x2], $0x4000, s8, s13, $0x38;
	[tilespmem:$0x10000] =	vst v63  }
.LBB1_5:
0x24: {  	s15 =	sadd.s32 $0x2000, s10  }
0x25: {  	s13 =	sadd.s32 $0x40, s11;
	s17 =	smov.u32 s11;
	p1 =	sgt.s32 s15, $0x270FF  }
0x26: {  	s17 =	smov.u32 @p1 s13  }
0x27: {  	s15 =	smov.u32 @p1 s3;
	p1 =	sgt.s32 s17, $0x3F  }
0x28: {  	s17 =	simm.s32 @p1 $0x0;
	p1 =	sne.s32 s12, s7  }
.Ltmp1:
0x29: {  	p0 =	slt.u32 s12, $0x2;
	(pc) =	sbr.rel @!p1 .LBB1_6-.Ltmp1, $4  }
0x2a: {  	s16 =	simm.s32 @!p0 $0x2  }
0x2b: {  	s14 =	smov.u32 s11;
	s9 =	sadd.s32 $0x4000, s9;
	_ =	swait.ge @!p0 [sflag:s16], $0x4000  }
0x2c: {  	s13 =	smov.u32 s10;
	[sflag:s16] =	ssyncset.done @!p0 $0x0;
	s10 =	smov.u32 s15  }
0x2d: {  	s12 =	sadd.s32 $0x1, s12;
	[sflag:s16] =	ssyncadd.s32 @!p0 $0xFFFFC000;
	s11 =	smov.u32 s17  }
.LBB1_1:
0x2e: {  	p0 =	sge.u32 s12, s6  }
0x2f: {  	s15 =	smulhi.u32 @!p0 $0xD1B71759, s10;
	_ =	sdelay $0x1  }
0x30: {  	s15 =	sshrl.u32 @!p0 s15, $0x11  }
0x31: {  	s15 =	smul.u32 @!p0 $0x27100, s15  }
0x32: {  	s16 =	sxor.u32 @!p0 $0xFFFFFFFF, s12  }
0x33: {  	s17 =	smul.u32 @!p0 $0x4E20, s11;
	s16 =	sshll.u32 @!p0 s16, $0xE;
	s15 =	ssub.s32 @!p0 s10, s15  }
0x34: {  	s31 =	sadd.s32 $0xFFFFFFFF, s12;
	s16 =	sand.u32 @!p0 $0x4000, s16;
	s18 =	sand.u32 @!p0 $0x7, s15  }
0x35: {  	s17 =	sadd.s32 @!p0 s2, s17;
	s15 =	sshrl.u32 @!p0 s15, $0x3;
	s18 =	sshll.u32 @!p0 s18, $0x12  }
0x36: {  	s15 =	sadd.s32 @!p0 s15, s17;
	s17 =	sor.u32 @!p0 $0x100, s18;
	s18 =	simm.s32 @!p0 $0x27100  }
0x37: {  	[tilespmem:s16], [sflag:$0x1] =	stream.strided.gather @!p0 [hbm4b:s15+s17], $0x4000, s18, s17, $0x38;
	[tilespmem:$0x10000] =	vst v63  }
0x38: {  	p0 =	sge.u32 s31, s6  }
.Ltmp2:
0x39: {  	_ = 	snop;
	(pc) =	sbr.rel @p0 .LBB1_5-.Ltmp2, $1  }
0x3a: {  	_ =	sdelay $0x3  }
0x3b: {  	_ =	swait.ge [sflag:s5], $0x4000  }
0x3c: {  	s15 =	sand.u32 $0x4000, s9;
	[sflag:s5] =	ssyncset.done $0x0  }
0x3d: {  	s31 =	sshll.u32 s12, $0xE;
	s16 =	sor.u32 $0x80, s15;
	[sflag:s5] =	ssyncadd.s32 $0xFFFFC000  }
0x3e: {  	s15 =	sand.u32 $0x4000, s31;
	v1 =	vld [tilespmem:s16+$0x70]  }
0x3f: {  	s15 =	sor.u32 $0x8000, s15;
	v2 =	vld [tilespmem:s16+$0xFFFFFF90]  }
0x40: {  	s18 =	simm.s32 $0x0;
	v0 =	vmov s15;
	v3 =	vld [tilespmem:s16+$0xFFFFFFA0]  }
0x41: {  	s17 =	sand.u32 $0x3800, s18;
	s19 =	sand.u32 $0x380, s18;
	v4 =	vld [tilespmem:s16+$0xFFFFFFB0]  }
0x42: {  	s17 =	sor.u32 s19, s17;
	v5 =	vld [tilespmem:s16+$0xFFFFFFC0]  }
0x43: {  	s19 =	sand.u32 $0x3B00, s17;
	v6 =	vld [tilespmem:s16+$0xFFFFFFD0]  }
0x44: {  	s20 =	sand.u32 $0x80, s18;
	v8 =	vld [tilespmem:s16+$0xFFFFFFE0];
	s19 =	sadd.s32 s19, s15  }
0x45: {  	v9 =	vld [tilespmem:s16+$0x0];
	s19 =	sadd.s32 s20, s19;
	[tilespmem:v0+s17+$0x470 ss:$0x1] =	vst.idx.msk $0xffff, v1  }
0x46: {  	v10 =	vld [tilespmem:s16+$0x10];
	[tilespmem:s19+$0x10] =	vst v2  }
0x47: {  	v7 =	vld [tilespmem:s16+$0x30];
	[tilespmem:s19+$0x20] =	vst v3  }
0x48: {  	v1 =	vld [tilespmem:s16+$0xFFFFFFF0];
	[tilespmem:s19+$0x30] =	vst v4  }
0x49: {  	v4 =	vld [tilespmem:s16+$0x20];
	[tilespmem:s19+$0x40] =	vst v5  }
0x4a: {  	[tilespmem:s19+$0x50] =	vst v6;
	v3 =	vld [tilespmem:s16+$0x40]  }
0x4b: {  	[tilespmem:s19+$0x60] =	vst v8;
	v2 =	vld [tilespmem:s16+$0x50]  }
0x4c: {  	v5 =	vld [tilespmem:s16+$0xFFFFFF80];
	[tilespmem:s19+$0x400] =	vst v9  }
0x4d: {  	[tilespmem:s19+$0x70] =	vst v1;
	v1 =	vld [tilespmem:s16+$0x60];
	s16 =	sadd.s32 $0x100, s16  }
0x4e: {  	s21 =	simm.s32 $0x100;
	s20 =	simm.s32 $0x200;
	[tilespmem:v0+s17+$0x410 ss:$0x1] =	vst.idx.msk $0xffff, v10;
	v6 =	vld [tilespmem:s16+$0x70]  }
.LBB1_3:
0x4f: {  	p0 =	sne.s32 s20, $0x3F00;
	v8 =	vld [tilespmem:s16+$0xFFFFFF90];
	[tilespmem:v0+s17+$0x420 ss:$0x1] =	vst.idx.msk $0xffff, v4  }
0x50: {  	s18 =	sadd.s32 $0x80, s18;
	v4 =	vld [tilespmem:s16+$0xFFFFFFA0];
	[tilespmem:v0+s17+$0x430 ss:$0x1] =	vst.idx.msk $0xffff, v7  }
0x51: {  	s21 =	sand.u32 $0x3800, s21;
	s22 =	sand.u32 $0x380, s18;
	s23 =	sand.u32 $0x80, s18;
	v7 =	vld [tilespmem:s16+$0xFFFFFFB0];
	[tilespmem:v0+s17+$0x440 ss:$0x1] =	vst.idx.msk $0xffff, v3  }
0x52: {  	s22 =	sor.u32 s22, s21;
	s21 =	smov.u32 s20;
	v3 =	vld [tilespmem:s16+$0xFFFFFFC0];
	[tilespmem:s19+$0x0] =	vst v5  }
0x53: {  	s19 =	sand.u32 $0x3B00, s22;
	v5 =	vld [tilespmem:s16+$0xFFFFFFD0];
	[tilespmem:v0+s22+$0x470 ss:$0x1] =	vst.idx.msk $0xffff, v6  }
0x54: {  	s19 =	sadd.s32 s19, s15;
	v6 =	vld [tilespmem:s16+$0xFFFFFFE0];
	[tilespmem:v0+s17+$0x450 ss:$0x1] =	vst.idx.msk $0xffff, v2  }
0x55: {  	s19 =	sadd.s32 s23, s19;
	v9 =	vld [tilespmem:s16+$0xFFFFFFF0];
	[tilespmem:v0+s17+$0x460 ss:$0x1] =	vst.idx.msk $0xffff, v1;
	s17 =	smov.u32 s22  }
0x56: {  	[tilespmem:s19+$0x10] =	vst v8;
	v8 =	vld [tilespmem:s16+$0x0]  }
0x57: {  	[tilespmem:s19+$0x20] =	vst v4;
	v10 =	vld [tilespmem:s16+$0x10]  }
0x58: {  	[tilespmem:s19+$0x30] =	vst v7;
	v4 =	vld [tilespmem:s16+$0x20]  }
0x59: {  	[tilespmem:s19+$0x40] =	vst v3;
	v7 =	vld [tilespmem:s16+$0x30]  }
.Ltmp3:
0x5a: {  	[tilespmem:s19+$0x50] =	vst v5;
	v3 =	vld [tilespmem:s16+$0x40];
	(pc) =	sbr.rel @p0 .LBB1_3-.Ltmp3, $4  }
0x5b: {  	[tilespmem:s19+$0x60] =	vst v6;
	v2 =	vld [tilespmem:s16+$0x50]  }
0x5c: {  	[tilespmem:s19+$0x70] =	vst v9;
	v1 =	vld [tilespmem:s16+$0x60]  }
0x5d: {  	v5 =	vld [tilespmem:s16+$0xFFFFFF80];
	[tilespmem:s19+$0x400] =	vst v8;
	s16 =	sadd.s32 $0x100, s16  }
0x5e: {  	s20 =	sadd.s32 $0x100, s20;
	v6 =	vld [tilespmem:s16+$0x70];
	[tilespmem:v0+s17+$0x410 ss:$0x1] =	vst.idx.msk $0xffff, v10  }
.Ltmp4:
0x5f: {  	_ = 	snop;
	(pc) =	sbr.rel .LBB1_4-.Ltmp4, $1  }
0x60: {  	_ =	sdelay $0x3  }
.LBB1_6:
0x61: {  	_ =	sfence.sel $0x180000  }
0x62: {  	s2 =	simm.s32 $0x1;
	[bflag:$0x0] =	sbarrier.arrive $0xFFFF  }
0x63: {  	s31 =	simm.s32 $0x2;
	[sflag:s2] =	ssyncpa.u1 $0x1  }
0x64: {  	[sflag:s31] =	ssyncpa.u1 $0x1  }
0x65: {  	p0 =	sne.s32 s0, $0x0;
	_ =	strace $0x90000047  }
0x66: {  	s0 =	sadd.s32 @!p0 $0x100000, s1;
	[bflag:$0x2] =	sbarrier.arrive $0xFFFF  }
0x67: {  	[sflag:s0] =	ssyncadd.tile.s32 @!p0 $0x1;
	_ =	shalt  }
.Lfunc_end1:
_tile_overlayer_lowered:
.L_overlay_start_2:
0x68: {  	(tag) =	ssettag $0x2  }
0x69: {  	s0 =	rddreg [dreg:$0x0];
	s2 =	stileid.u32  }
0x6a: {  	s1 =	rddreg [dreg:$0x1];
	p0 =	sne.s32 s2, $0x0  }
0x6b: {  	s3 =	rddreg [dreg:$0x2];
	[bflag:$0x3] =	sbarrier.arrive $0xFFFF;
	s2 =	simm.s32 @!p0 $0x1C01  }
0x6c: {  	[timem:s3], [sflag:s2] =	dma.local @!p0 [hbm:s0], s1  }
0x6d: {  	s0 =	simm.s32 @!p0 $0x1  }
0x6e: {  	_ =	swait.ge @!p0 [sflag:s0], s1  }
0x6f: {  	s1 =	ssub.s32 @!p0 $0x0, s1;
	[sflag:s0] =	ssyncset.done @!p0 $0x0  }
0x70: {  	[sflag:s0] =	ssyncadd.s32 @!p0 s1  }
0x71: {  	[bflag:$0x3] =	sbarrier.arrive $0xFFFF  }
0x72: {  	_ =	shalt  }

// kernel: sparse-core-data-format-call.cloned.1.call-start
scs
called_computation_lowered:
.L_overlay_start_0:
0x0: {  	s2 =	sld [smem:$0x3FD9]  }
0x1: {  	s3 =	sld [smem:$0x3FFE];
	_ =	sdelay $0x1  }
0x2: {  	s1 =	srdreg.scid  }
0x3: {  	s0 =	sand.u32 $0x1, s1  }
0x4: {  	s18 =	sshll.u32 s0, $0xA;
	s2 =	sadd.s32 s3, s2  }
0x5: {  	s2 =	sadd.s32 s2, s18  }
0x6: {  	[smem:$0x3FC7] =	sst s2  }
0x7: {  	_ = 	snop  }
0x8: {  	s2 =	sld [smem:$0x3FD0];
	(tm) =	ssettm $0x1  }
0x9: {  	s19 =	sld [smem:$0x3FFB];
	_ =	sdelay $0x3  }
0xa: {  	_ =	strace s19  }
0xb: {  	s3 =	sld [smem:$0x3FFC];
	_ =	sdelay $0x3  }
0xc: {  	_ =	strace s3  }
0xd: {  	s3 =	sld [smem:$0x3FFD];
	_ =	sdelay $0x3  }
0xe: {  	_ =	strace s3  }
0xf: {  	_ =	strace $0x8FFFFFFF  }
0x10: {  	s20 =	sld [smem:$0x3FDB];
	_ =	sdelay $0x1  }
0x11: {  	s4 =	simm.s32 $_scs_section_size  }
0x12: {  	s5 =	simm.s32 $_size__tile_overlayer_lowered;
	s6 =	simm.s32 $_tile_overlayer_lowered  }
0x13: {  	s23 =	simm.s32 $0x1BFF;
	s22 =	sshll.u32 s6, $0x1;
	s3 =	sadd.s32 s4, s20  }
0x14: {  	s7 =	simm.s32 $0x0;
	s21 =	sshll.u32 s5, $0x1;
	s5 =	sadd.s32 s22, s3  }
0x15: {  	[timem:s7], [sflag:s23] =	dma.local [hbm:s5], s21  }
0x16: {  	_ =	swait.ge [sflag:s23], s21  }
0x17: {  	s4 =	ssub.s32 $0x0, s21;
	[sflag:s23] =	ssyncset.done $0x0  }
0x18: {  	[sflag:s23] =	ssyncadd.s32 s4;
	_ =	sdelay $0x1  }
0x19: {  	s24 =	simm.s32 $0x1B8B  }
0x1a: {  	_ =	swait.ge [sflag:s24], $0x1  }
0x1b: {  	[sflag:s24] =	ssyncset.done $0x0  }
0x1c: {  	s26 =	simm.s32 $0x1B8E;
	s25 =	sld [smem:$0x3FFE];
	[sflag:s24] =	ssyncadd.s32 $0xFFFFFFFF  }
0x1d: {  	s27 =	simm.s32 $execute0_lowered;
	[smem:$0x3FD2] =	sst s26  }
0x1e: {  	s5 =	sshll.u32 s27, $0x1;
	_ =	strace $0x80000049;
	[dreg:$0x1] =	wrdreg $0xFFFFFFFF  }
0x1f: {  	s28 =	simm.s32 $_size_execute0_lowered;
	s3 =	sadd.s32 s3, s5;
	[dreg:$0x0] =	wrdreg $0x0  }
0x20: {  	s5 =	sshll.u32 s28, $0x1;
	[dreg:$0x2] =	wrdreg s3  }
0x21: {  	[dreg:$0x3] =	wrdreg s5  }
0x22: {  	[dreg:$0x4] =	wrdreg $0xC0  }
0x23: {  	_ =	task [dreg:s7], $0x5FFFF  }
0x24: {  	[dreg:$0x1] =	wrdreg $0xFFFFFFFF  }
0x25: {  	[dreg:$0x0] =	wrdreg $0x60  }
0x26: {  	[dreg:$0x2] =	wrdreg s25  }
0x27: {  	[dreg:$0x3] =	wrdreg s2  }
0x28: {  	[dreg:$0x4] =	wrdreg $0x9  }
0x29: {  	_ =	task.clear_ibuf [dreg:s7], $0x5FFFF;
	_ =	strace $0x90000049  }
0x2a: {  	s29 =	simm.s32 $0x9;
	_ =	strace $0x8000004B  }
0x2b: {  	_ =	swait.ge [sflag:s29], $0x1  }
0x2c: {  	[sflag:s29] =	ssyncadd.s32 $0xFFFFFFFF  }
0x2d: {  	_ =	strace $0x9000004B  }
0x2e: {  	_ =	sfence  }
0x2f: {  	s30 =	sld [smem:$0x0];
	_ =	sdelay $0x2  }
0x30: {  	s31 =	sshll.u32 s1, $0xD;
	s1 =	sshrl.u32 s1, $0x2  }
0x31: {  	s3 =	sand.u32 $0x4000, s31;
	s1 =	sadd.s32 s1, s30  }
0x32: {  	s0 =	sor.u32 s3, s0;
	s1 =	sshll.u32 s1, $0x11  }
0x33: {  	s0 =	sor.u32 s1, s0  }
0x34: {  	s0 =	sadd.s32 $0x8F2B, s0  }
0x35: {  	[sflag:s0] =	ssyncadd.remote.s32 $0x1  }
0x36: {  	_ =	sfence.sel $0xFFFF  }
0x37: {  	[dreg:$0x0] =	wrdreg $0xFFFFFFFF;
	(pc) =	sbr.abs _section_cstart, $3  }
0x38: {  	[dreg:$0x1] =	wrdreg $0xFFFFFFFF  }
0x39: {  	_ =	task.clear_ibuf [dreg:s7], $0x2FFFF;
	_ =	strace $0x9FFFFFFF  }
0x3a: {  	(tm) =	ssettm $0x7FFFFFFF  }
0x3b: {  	_ =	shalt  }
tec
execute0_lowered:
.L_overlay_start_1:
0x0: {  	(tag) =	ssettag $0x1  }
0x1: {  	s0 =	srdreg.scid;
	s6 =	rddreg [dreg:$0x0]  }
0x2: {  	s3 =	rddreg [dreg:$0x1];
	s1 =	sshll.u32 s0, $0x4  }
0x3: {  	s7 =	simm.s32 $0x1;
	s0 =	stileid.u32;
	s1 =	sand.u32 $0x10, s1  }
0x4: {  	s8 =	simm.s32 $0x2;
	s13 =	simm.s32 $0x0;
	s1 =	sor.u32 s0, s1  }
0x5: {  	s9 =	simm.s32 $0x0;
	s14 =	simm.s32 $0x0;
	s2 =	sshll.u32 s1, $0x8  }
0x6: {  	s11 =	simm.s32 $0x0;
	s12 =	simm.s32 $0x0;
	s5 =	ssub.s32 $0x27100, s2  }
.Ltmp0:
0x7: {  	s6 =	sadd.s32 $0x800, s6;
	s4 =	sand.u32 $0x1F00, s5;
	(pc) =	sbr.rel .LBB1_1-.Ltmp0, $4  }
0x8: {  	s1 =	rddreg [dreg:$0x2];
	_ =	strace $0x8000004A;
	p0 =	sne.s32 s4, $0x0  }
0x9: {  	s5 =	sshrl.u32 s5, $0xD;
	s4 =	simm.s32 $0x1;
	s7 =	simm.s32 @!p0 $0x0  }
0xa: {  	s10 =	smov.u32 s2;
	[sflag:s4] =	ssyncpa.u1 $0x0;
	s5 =	sadd.s32 s7, s5  }
0xb: {  	[sflag:s8] =	ssyncpa.u1 $0x0;
	s8 =	simm.s32 $0x27100;
	s7 =	sadd.s32 $0x1, s5  }
.LBB1_4:
0xc: {  	_ =	sdelay $0x1  }
0xd: {  	[tilespmem:s17+$0xFFFFFFE0] =	vst v8  }
0xe: {  	[tilespmem:s17+$0xFFFFFFF0] =	vst v7  }
0xf: {  	s20 =	sor.u32 s22, s21;
	[tilespmem:s17+$0x10] =	vst v1;
	v47 =	vld.idx.msk [tilespmem:v0+s18+$0x470 ss:$0x1], $0xffff  }
0x10: {  	[tilespmem:s17+$0x20] =	vst v2;
	v57 =	vld.idx.msk [tilespmem:v0+s20+$0x410 ss:$0x1], $0xffff  }
0x11: {  	[tilespmem:s17+$0x30] =	vst v3;
	v58 =	vld.idx.msk [tilespmem:v0+s20+$0x420 ss:$0x1], $0xffff  }
0x12: {  	[tilespmem:s17+$0x40] =	vst v4;
	v59 =	vld.idx.msk [tilespmem:v0+s20+$0x430 ss:$0x1], $0xffff  }
0x13: {  	[tilespmem:s17+$0x50] =	vst v5;
	v60 =	vld.idx.msk [tilespmem:v0+s20+$0x440 ss:$0x1], $0xffff  }
0x14: {  	[tilespmem:s17+$0x60] =	vst v6;
	s21 =	sand.u32 $0x3B00, s20;
	v61 =	vld.idx.msk [tilespmem:v0+s20+$0x450 ss:$0x1], $0xffff  }
0x15: {  	s19 =	sand.u32 $0x80, s19;
	s28 =	sadd.s32 $0x100, s17;
	v62 =	vld.idx.msk [tilespmem:v0+s20+$0x460 ss:$0x1], $0xffff;
	s16 =	sadd.s32 s21, s16;
	[tilespmem:s17+$0x70] =	vst v47  }
0x16: {  	v63 =	vld.idx.msk [tilespmem:v0+s20+$0x470 ss:$0x1], $0xffff;
	s16 =	sadd.s32 s19, s16;
	[tilespmem:s28+$0x10] =	vst v57  }
0x17: {  	v48 =	vld [tilespmem:s16+$0x400];
	[tilespmem:s28+$0x20] =	vst v58  }
0x18: {  	v49 =	vld [tilespmem:s16+$0x0];
	[tilespmem:s28+$0x30] =	vst v59  }
0x19: {  	v50 =	vld [tilespmem:s16+$0x10];
	[tilespmem:s28+$0x40] =	vst v60  }
0x1a: {  	v51 =	vld [tilespmem:s16+$0x20];
	[tilespmem:s28+$0x50] =	vst v61  }
0x1b: {  	v52 =	vld [tilespmem:s16+$0x30];
	[tilespmem:s28+$0x60] =	vst v62  }
0x1c: {  	v53 =	vld [tilespmem:s16+$0x40];
	[tilespmem:s28+$0x70] =	vst v63  }
0x1d: {  	s29 =	smulhi.u32 $0xD1B71759, s13;
	v54 =	vld [tilespmem:s16+$0x50];
	[tilespmem:s28+$0x0] =	vst v48  }
0x1e: {  	v55 =	vld [tilespmem:s16+$0x60];
	[tilespmem:s28+$0xFFFFFF80] =	vst v49  }
0x1f: {  	v56 =	vld [tilespmem:s16+$0x70];
	s16 =	sshrl.u32 s29, $0x11;
	[tilespmem:s28+$0xFFFFFF90] =	vst v50  }
0x20: {  	s16 =	smul.u32 $0x27100, s16;
	[tilespmem:s28+$0xFFFFFFA0] =	vst v51  }
0x21: {  	[tilespmem:s28+$0xFFFFFFB0] =	vst v52  }
0x22: {  	s14 =	smul.u32 $0x4E20, s14;
	s30 =	ssub.s32 s13, s16;
	[tilespmem:s28+$0xFFFFFFC0] =	vst v53  }
0x23: {  	s16 =	sand.u32 $0x7, s30;
	[tilespmem:s28+$0xFFFFFFD0] =	vst v54  }
0x24: {  	s14 =	sadd.s32 s3, s14;
	s13 =	sshrl.u32 s30, $0x3;
	[tilespmem:s28+$0xFFFFFFE0] =	vst v55;
	s16 =	sshll.u32 s16, $0x12  }
0x25: {  	[tilespmem:s28+$0xFFFFFFF0] =	vst v56;
	s13 =	sadd.s32 s13, s14;
	s31 =	sor.u32 $0x100, s16  }
0x26: {  	[hbm4b:s13+s31] =	stream.strided.scatter [tilespmem:s15], [sflag:$0x2], $0x4000, s8, s31, $0x38;
	[tilespmem:$0x10000] =	vst v63  }
.LBB1_5:
0x27: {  	s15 =	sadd.s32 $0x2000, s10  }
0x28: {  	s13 =	sadd.s32 $0x40, s11;
	s17 =	smov.u32 s11;
	p1 =	sgt.s32 s15, $0x270FF  }
0x29: {  	s17 =	smov.u32 @p1 s13  }
0x2a: {  	s15 =	smov.u32 @p1 s2;
	p1 =	sgt.s32 s17, $0x3F  }
0x2b: {  	s17 =	simm.s32 @p1 $0x0;
	p1 =	sne.s32 s12, s7  }
.Ltmp1:
0x2c: {  	p0 =	slt.u32 s12, $0x2;
	(pc) =	sbr.rel @!p1 .LBB1_6-.Ltmp1, $4  }
0x2d: {  	s16 =	simm.s32 @!p0 $0x2  }
0x2e: {  	s14 =	smov.u32 s11;
	s9 =	sadd.s32 $0x4000, s9;
	_ =	swait.ge @!p0 [sflag:s16], $0x4000  }
0x2f: {  	s13 =	smov.u32 s10;
	[sflag:s16] =	ssyncset.done @!p0 $0x0;
	s10 =	smov.u32 s15  }
0x30: {  	s12 =	sadd.s32 $0x1, s12;
	[sflag:s16] =	ssyncadd.s32 @!p0 $0xFFFFC000;
	s11 =	smov.u32 s17  }
.LBB1_1:
0x31: {  	p0 =	sge.u32 s12, s5  }
0x32: {  	s15 =	sshrl.u32 @!p0 s11, $0x3  }
0x33: {  	s16 =	sshll.u32 @!p0 s10, $0x3;
	s15 =	smul.u32 @!p0 $0x138800, s15  }
0x34: {  	s17 =	sshll.u32 @!p0 s11, $0x7;
	s16 =	sand.u32 @!p0 $0xFFFFFC00, s16  }
0x35: {  	s15 =	sadd.s32 @!p0 s15, s16;
	s16 =	sand.u32 @!p0 $0x380, s17  }
0x36: {  	s17 =	sand.u32 @!p0 $0x7F, s10;
	s15 =	sor.u32 @!p0 s16, s15  }
0x37: {  	s16 =	sor.u32 @!p0 s17, s15  }
0x38: {  	s17 =	smulhi.u32 @!p0 $0xD1B71759, s16;
	_ =	sdelay $0x1  }
0x39: {  	s15 =	smulhi.u32 @!p0 $0xD1B71759, s15;
	s17 =	sshrl.u32 @!p0 s17, $0x11  }
0x3a: {  	s17 =	smul.u32 @!p0 $0x27100, s17  }
0x3b: {  	s31 =	sadd.s32 $0xFFFFFFFF, s12;
	s18 =	sxor.u32 @!p0 $0xFFFFFFFF, s12;
	s15 =	sshrl.u32 @!p0 s15, $0x11  }
0x3c: {  	s18 =	sshll.u32 @!p0 s18, $0xE;
	s15 =	sand.u32 @!p0 $0x3F, s15;
	s16 =	ssub.s32 @!p0 s16, s17  }
0x3d: {  	s15 =	smul.u32 @!p0 $0x4E20, s15;
	s17 =	sshrl.u32 @!p0 s16, $0x3;
	s16 =	sand.u32 @!p0 $0x7, s16  }
0x3e: {  	s18 =	sand.u32 @!p0 $0x4000, s18;
	s17 =	sadd.s32 @!p0 s6, s17;
	s16 =	sshll.u32 @!p0 s16, $0x12  }
0x3f: {  	s15 =	sadd.s32 @!p0 s15, s17;
	s16 =	sor.u32 @!p0 $0x800, s16;
	s17 =	simm.s32 @!p0 $0x138800  }
0x40: {  	[tilespmem:s18], [sflag:$0x1] =	stream.strided.gather @!p0 [hbm4b:s15+s16], $0x4000, s17, s16, $0x38;
	[tilespmem:$0x10000] =	vst v63  }
0x41: {  	p0 =	sge.u32 s31, s5  }
.Ltmp2:
0x42: {  	_ = 	snop;
	(pc) =	sbr.rel @p0 .LBB1_5-.Ltmp2, $1  }
0x43: {  	_ =	sdelay $0x3  }
0x44: {  	s30 =	simm.s32 $0x0  }
0x45: {  	s17 =	sand.u32 $0x3800, s30;
	s18 =	sand.u32 $0x380, s30  }
0x46: {  	s15 =	sshll.u32 s12, $0xE;
	s18 =	sor.u32 s18, s17  }
0x47: {  	_ =	swait.ge [sflag:s4], $0x4000;
	s16 =	sand.u32 $0x4000, s15;
	s17 =	sand.u32 $0x3B00, s18  }
0x48: {  	[sflag:s4] =	ssyncset.done $0x0;
	s15 =	sand.u32 $0x80, s30;
	s17 =	sadd.s32 s17, s16  }
0x49: {  	[sflag:s4] =	ssyncadd.s32 $0xFFFFC000;
	s15 =	sadd.s32 s15, s17  }
0x4a: {  	v4 =	vld [tilespmem:s15+$0x400]  }
0x4b: {  	v5 =	vld [tilespmem:s15+$0x0]  }
0x4c: {  	v6 =	vld [tilespmem:s15+$0x10]  }
0x4d: {  	v0 =	vmov s16;
	v7 =	vld [tilespmem:s15+$0x20]  }
0x4e: {  	v9 =	vld [tilespmem:s15+$0x30]  }
0x4f: {  	v10 =	vld [tilespmem:s15+$0x40]  }
0x50: {  	s31 =	sand.u32 $0x4000, s9;
	v11 =	vld [tilespmem:s15+$0x50]  }
0x51: {  	s17 =	sor.u32 $0x8080, s31;
	v8 =	vld [tilespmem:s15+$0x60]  }
0x52: {  	v1 =	vld.idx.msk [tilespmem:v0+s18+$0x410 ss:$0x1], $0xffff;
	[tilespmem:s17+$0x0] =	vst v4  }
0x53: {  	v2 =	vld.idx.msk [tilespmem:v0+s18+$0x420 ss:$0x1], $0xffff;
	[tilespmem:s17+$0xFFFFFF80] =	vst v5  }
0x54: {  	v3 =	vld.idx.msk [tilespmem:v0+s18+$0x430 ss:$0x1], $0xffff;
	[tilespmem:s17+$0xFFFFFF90] =	vst v6  }
0x55: {  	[tilespmem:s17+$0xFFFFFFA0] =	vst v7;
	v7 =	vld [tilespmem:s15+$0x70]  }
0x56: {  	s20 =	simm.s32 $0x100;
	[tilespmem:s17+$0xFFFFFFB0] =	vst v9;
	v4 =	vld.idx.msk [tilespmem:v0+s18+$0x440 ss:$0x1], $0xffff  }
0x57: {  	s19 =	simm.s32 $0x80;
	s21 =	sand.u32 $0x3800, s20;
	[tilespmem:s17+$0xFFFFFFC0] =	vst v10;
	v5 =	vld.idx.msk [tilespmem:v0+s18+$0x450 ss:$0x1], $0xffff  }
0x58: {  	s22 =	sand.u32 $0x380, s19;
	s20 =	simm.s32 $0x200;
	s15 =	sor.u32 $0x8000, s16;
	[tilespmem:s17+$0xFFFFFFD0] =	vst v11;
	v6 =	vld.idx.msk [tilespmem:v0+s18+$0x460 ss:$0x1], $0xffff  }
.LBB1_3:
0x59: {  	p0 =	sne.s32 s20, $0x3F00;
	[tilespmem:s17+$0xFFFFFFE0] =	vst v8;
	v8 =	vld.idx.msk [tilespmem:v0+s18+$0x470 ss:$0x1], $0xffff;
	s18 =	sor.u32 s22, s21  }
0x5a: {  	s21 =	sand.u32 $0x3B00, s18;
	v9 =	vld.idx.msk [tilespmem:v0+s18+$0x410 ss:$0x1], $0xffff;
	[tilespmem:s17+$0xFFFFFFF0] =	vst v7  }
0x5b: {  	s22 =	sand.u32 $0x80, s19;
	s21 =	sadd.s32 s21, s16;
	v7 =	vld.idx.msk [tilespmem:v0+s18+$0x420 ss:$0x1], $0xffff;
	[tilespmem:s17+$0x10] =	vst v1  }
0x5c: {  	s21 =	sadd.s32 s22, s21;
	v10 =	vld.idx.msk [tilespmem:v0+s18+$0x430 ss:$0x1], $0xffff;
	[tilespmem:s17+$0x20] =	vst v2  }
0x5d: {  	v11 =	vld [tilespmem:s21+$0x400];
	[tilespmem:s17+$0x30] =	vst v3  }
0x5e: {  	v12 =	vld [tilespmem:s21+$0x0];
	[tilespmem:s17+$0x40] =	vst v4  }
0x5f: {  	v4 =	vld [tilespmem:s21+$0x10];
	[tilespmem:s17+$0x50] =	vst v5  }
0x60: {  	v1 =	vmov v9;
	v5 =	vld [tilespmem:s21+$0x20];
	[tilespmem:s17+$0x60] =	vst v6  }
0x61: {  	v2 =	vmov v7;
	v6 =	vld [tilespmem:s21+$0x30];
	[tilespmem:s17+$0x70] =	vst v8;
	s17 =	sadd.s32 $0x100, s17  }
0x62: {  	v3 =	vmov v10;
	v9 =	vld [tilespmem:s21+$0x40];
	[tilespmem:s17+$0x0] =	vst v11  }
0x63: {  	[tilespmem:s17+$0xFFFFFF80] =	vst v12;
	v10 =	vld [tilespmem:s21+$0x50]  }
.Ltmp3:
0x64: {  	[tilespmem:s17+$0xFFFFFF90] =	vst v4;
	v8 =	vld [tilespmem:s21+$0x60];
	(pc) =	sbr.rel @p0 .LBB1_3-.Ltmp3, $4  }
0x65: {  	[tilespmem:s17+$0xFFFFFFA0] =	vst v5;
	v7 =	vld [tilespmem:s21+$0x70]  }
0x66: {  	[tilespmem:s17+$0xFFFFFFB0] =	vst v6;
	v4 =	vld.idx.msk [tilespmem:v0+s18+$0x440 ss:$0x1], $0xffff  }
0x67: {  	s19 =	sadd.s32 $0x80, s19;
	[tilespmem:s17+$0xFFFFFFC0] =	vst v9;
	v5 =	vld.idx.msk [tilespmem:v0+s18+$0x450 ss:$0x1], $0xffff  }
0x68: {  	s22 =	sand.u32 $0x380, s19;
	s21 =	sand.u32 $0x3800, s20;
	s20 =	sadd.s32 $0x100, s20;
	[tilespmem:s17+$0xFFFFFFD0] =	vst v10;
	v6 =	vld.idx.msk [tilespmem:v0+s18+$0x460 ss:$0x1], $0xffff  }
.Ltmp4:
0x69: {  	_ = 	snop;
	(pc) =	sbr.rel .LBB1_4-.Ltmp4, $1  }
0x6a: {  	_ =	sdelay $0x3  }
.LBB1_6:
0x6b: {  	_ =	sfence.sel $0x180000  }
0x6c: {  	s2 =	simm.s32 $0x1;
	[bflag:$0x0] =	sbarrier.arrive $0xFFFF  }
0x6d: {  	s31 =	simm.s32 $0x2;
	[sflag:s2] =	ssyncpa.u1 $0x1  }
0x6e: {  	[sflag:s31] =	ssyncpa.u1 $0x1  }
0x6f: {  	p0 =	sne.s32 s0, $0x0;
	_ =	strace $0x9000004A  }
0x70: {  	s0 =	sadd.s32 @!p0 $0x100000, s1;
	[bflag:$0x2] =	sbarrier.arrive $0xFFFF  }
0x71: {  	[sflag:s0] =	ssyncadd.tile.s32 @!p0 $0x1;
	_ =	shalt  }
.Lfunc_end1:
_tile_overlayer_lowered:
.L_overlay_start_2:
0x72: {  	(tag) =	ssettag $0x2  }
0x73: {  	s0 =	rddreg [dreg:$0x0];
	s2 =	stileid.u32  }
0x74: {  	s1 =	rddreg [dreg:$0x1];
	p0 =	sne.s32 s2, $0x0  }
0x75: {  	s3 =	rddreg [dreg:$0x2];
	[bflag:$0x3] =	sbarrier.arrive $0xFFFF;
	s2 =	simm.s32 @!p0 $0x1C01  }
0x76: {  	[timem:s3], [sflag:s2] =	dma.local @!p0 [hbm:s0], s1  }
0x77: {  	s0 =	simm.s32 @!p0 $0x1  }
0x78: {  	_ =	swait.ge @!p0 [sflag:s0], s1  }
0x79: {  	s1 =	ssub.s32 @!p0 $0x0, s1;
	[sflag:s0] =	ssyncset.done @!p0 $0x0  }
0x7a: {  	[sflag:s0] =	ssyncadd.s32 @!p0 s1  }
0x7b: {  	[bflag:$0x3] =	sbarrier.arrive $0xFFFF  }
0x7c: {  	_ =	shalt  }

</sc_bundles>
